<compile_context>
chip_gen: v7x
topology: tpu7x:2x2x1
jax: 0.10.2.dev20260603
libtpu: 0.0.44.dev20260713+nightly
codegen_flags: <defaults>
</compile_context>

<pallas_src>
import jax
import jax.numpy as jnp
from jax import lax
from jax.experimental import pallas as pl
from jax.experimental.pallas import tpu as pltpu
from jax.experimental.pallas import tpu_sc as plsc

_P = 64
_L = 16
_D = 4096
_K = 8
_B = 4

_NC = 2
_NS = 16
_NW = _NC * _NS

_NU = 2
_UL = _L // _NU
_CA = 1
_CB = _NU - _CA


def _select_body(cls_ref, key_ref, idx_ref):
    cls = cls_ref[...]
    key = key_ref[...]
    kn = key * lax.rsqrt(jnp.maximum(jnp.sum(key * key, axis=1, keepdims=True), 1e-12))
    cn = cls * lax.rsqrt(jnp.maximum(jnp.sum(cls * cls, axis=1, keepdims=True), 1e-12))
    sim = lax.dot_general(cn, kn, (((1,), (1,)), ((), ())),
                          preferred_element_type=jnp.float32)

    col = lax.broadcasted_iota(jnp.int32, (_B, _P), 1)
    kcol = lax.broadcasted_iota(jnp.int32, (_B, _K), 1)
    s = sim
    idxmat = jnp.zeros((_B, _K), jnp.float32)
    for k in range(_K):
        m = jnp.max(s, axis=1, keepdims=True)
        cand = jnp.where(s == m, col, _P)
        p = jnp.min(cand, axis=1, keepdims=True)
        idxmat = jnp.where(kcol == k, p.astype(jnp.float32), idxmat)
        s = jnp.where(col == p, -jnp.inf, s)

    rowi = lax.broadcasted_iota(jnp.int32, (_B * _K, _K), 0)
    ksel = (lax.broadcasted_iota(jnp.int32, (_B * _K, _K), 1)
            == lax.rem(rowi, _K)).astype(jnp.float32)
    bi = lax.broadcasted_iota(jnp.int32, (_B * _K, _B), 0)
    bsel = (lax.div(bi, _K) == lax.broadcasted_iota(jnp.int32, (_B * _K, _B), 1)
            ).astype(jnp.float32)
    idx_rows = lax.dot_general(bsel, idxmat, (((1,), (0,)), ((), ())),
                               preferred_element_type=jnp.float32)
    idx_flat = jnp.sum(idx_rows * ksel, axis=1, keepdims=True)
    idx_i = idx_flat.astype(jnp.int32)
    lane = lax.broadcasted_iota(jnp.int32, (_B * _K, 2 * 16), 1)
    grp = lax.div(lane, 16)
    off = jnp.where(grp == 0, 0, 1 + jnp.minimum(lax.rem(lane, 16), _CB - 1))
    idx_ref[...] = _NU * idx_i + off


def _simout_body(cls_ref, key_ref, idx_ref, sim_out_ref):
    cls = cls_ref[...]
    key = key_ref[...]
    kn = key * lax.rsqrt(jnp.maximum(jnp.sum(key * key, axis=1, keepdims=True), 1e-12))
    cn = cls * lax.rsqrt(jnp.maximum(jnp.sum(cls * cls, axis=1, keepdims=True), 1e-12))
    idx_i = lax.div(idx_ref[...], _NU)
    oh = (lax.broadcasted_iota(jnp.int32, (_B * _K, _P), 1)
          == idx_i[:, 0:1]).astype(jnp.float32)
    rows = lax.dot_general(oh, kn, (((1,), (0,)), ((), ())),
                           preferred_element_type=jnp.float32)
    bi = lax.broadcasted_iota(jnp.int32, (_B * _K, _B), 0)
    bsel = (lax.div(bi, _K) == lax.broadcasted_iota(jnp.int32, (_B * _K, _B), 1)
            ).astype(jnp.float32)
    cnrep = lax.dot_general(bsel, cn, (((1,), (0,)), ((), ())),
                            preferred_element_type=jnp.float32)
    sim_out_ref[...] = rows * cnrep


def _sc_gather_body(idx_hbm, prompt_hbm, out_hbm, idxv, buf_a, buf_b, sa, sb,
                    soa, sob):
    wid = lax.axis_index("s") * _NC + lax.axis_index("c")
    pltpu.sync_copy(idx_hbm.at[wid], idxv)
    ga = pltpu.async_copy(prompt_hbm.at[idxv.at[pl.ds(0, _CA)]], buf_a, sa)
    gb = pltpu.async_copy(prompt_hbm.at[idxv.at[pl.ds(16, _CB)]], buf_b, sb)
    ga.wait()
    oa = pltpu.async_copy(buf_a, out_hbm.at[pl.ds(wid * _NU, _CA)], soa)
    gb.wait()
    ob = pltpu.async_copy(buf_b, out_hbm.at[pl.ds(wid * _NU + _CA, _CB)], sob)
    oa.wait()
    ob.wait()


def kernel(x_embed, cls_features, prompt, prompt_key):
    del x_embed
    idx_rep = pl.pallas_call(
        _select_body,
        out_shape=jax.ShapeDtypeStruct((_B * _K, 2 * 16), jnp.int32),
    )(cls_features, prompt_key)

    mesh = plsc.VectorSubcoreMesh(core_axis_name="c", subcore_axis_name="s",
                                  num_cores=_NC, num_subcores=_NS)
    sc_gather = pl.kernel(
        _sc_gather_body,
        out_type=jax.ShapeDtypeStruct((_B * _K * _NU, _UL, _D), jnp.float32),
        mesh=mesh,
        scratch_types=[
            pltpu.VMEM((2 * 16,), jnp.int32),
            pltpu.VMEM((_CA, _UL, _D), jnp.float32),
            pltpu.VMEM((_CB, _UL, _D), jnp.float32),
            pltpu.SemaphoreType.DMA,
            pltpu.SemaphoreType.DMA,
            pltpu.SemaphoreType.DMA,
            pltpu.SemaphoreType.DMA,
        ],
    )
    out_units = sc_gather(idx_rep, prompt.reshape(_P * _NU, _UL, _D))

    sim_out = pl.pallas_call(
        _simout_body,
        out_shape=jax.ShapeDtypeStruct((_B * _K, _D), jnp.float32),
    )(cls_features, prompt_key, idx_rep)

    return (out_units.reshape(_B, _K * _L, _D), sim_out.reshape(_B, _K, _D))

# --- scband reference (transcript-rebuilt; emitter-appended) ---
"""Pipeline reference for scband-ins-prompts-3246995276347 (READ-ONLY COPY).

The authoritative reference and input builder live on the scoring server;
editing this copy changes nothing except your own understanding.
"""

import jax, jax.numpy as jnp
import numpy as np

POOL_SIZE = 64
LENGTH = 16
EMBED_DIM = 4096
TOP_K = 8


def l2_normalize(x, axis=None, epsilon=1e-12):
    square_sum = jnp.sum(jnp.square(x), axis=axis, keepdims=True)
    x_inv_norm = jax.lax.rsqrt(jnp.maximum(square_sum, epsilon))
    return x * x_inv_norm


def setup_inputs(seed: int = 0) -> dict:
    key = jax.random.key(seed)
    k1, k2, k3, k4 = jax.random.split(key, 4)
    x_embed = jax.random.normal(k1, (4, 2048, EMBED_DIM), dtype=jnp.float32)
    cls_features = jax.random.normal(k2, (4, EMBED_DIM), dtype=jnp.float32)
    # learned parameters, matching torch init: Uniform(0,1) * 0.01
    prompt = jax.random.uniform(k3, (POOL_SIZE, LENGTH, EMBED_DIM), dtype=jnp.float32) * 0.01
    prompt_key = jax.random.uniform(k4, (POOL_SIZE, EMBED_DIM), dtype=jnp.float32) * 0.01
    return {"x_embed": x_embed, "cls_features": cls_features, "prompt": prompt, "prompt_key": prompt_key}


def reference(x_embed, cls_features, prompt, prompt_key):
    # embedding_key == 'cls' and cls_features is provided
    x_embed_mean = cls_features
    prompt_norm = l2_normalize(prompt_key, axis=1)          # [P, D]
    x_embed_norm = l2_normalize(x_embed_mean, axis=1)       # [B, D]
    sim = jnp.matmul(x_embed_norm, prompt_norm.T)           # [B, P]
    _, idx = jax.lax.top_k(sim, TOP_K)                      # [B, K]
    # gather selected prompts
    batched_prompt_raw = jnp.take(prompt, idx.reshape(-1), axis=0).reshape(idx.shape + prompt.shape[1:])  # [B, K, L, D]
    bs, allowed_size, prompt_len, embed_dim = batched_prompt_raw.shape
    batched_prompt = jnp.reshape(batched_prompt_raw, (bs, allowed_size * prompt_len, embed_dim))  # [B, K*L, D]
    batched_key_norm = jnp.take(prompt_norm, idx.reshape(-1), axis=0).reshape(idx.shape + (prompt_norm.shape[1],))  # [B, K, D]
    x_embed_norm_e = x_embed_norm[:, None, :]               # [B, 1, D]
    sim_out = batched_key_norm * x_embed_norm_e             # [B, K, D]
    return (batched_prompt, sim_out)

if __name__ == "__main__":
    import jax
    _d = setup_inputs()
    print(jax.jit(kernel)(*tuple(_d.values())))

</pallas_src>

<mosaic_0001>
#map = affine_map<(d0, d1) -> (0, 0)>
#map1 = affine_map<(d0, d1) -> (0, 0, 0)>
module attributes {stable_mosaic.version = 14 : i64} {
  func.func @_sc_gather_body(%arg0: i32, %arg1: i32, %arg2: memref<32x32xi32, #tpu.memory_space<hbm>>, %arg3: memref<128x8x4096xf32, #tpu.memory_space<hbm>>, %arg4: memref<64x8x4096xf32, #tpu.memory_space<hbm>>, %arg5: memref<32xi32, #tpu.memory_space<vmem>>, %arg6: memref<1x8x4096xf32, #tpu.memory_space<vmem>>, %arg7: memref<1x8x4096xf32, #tpu.memory_space<vmem>>, %arg8: memref<!tpu.dma_semaphore, #tpu.memory_space<semaphore_mem>>, %arg9: memref<!tpu.dma_semaphore, #tpu.memory_space<semaphore_mem>>, %arg10: memref<!tpu.dma_semaphore, #tpu.memory_space<semaphore_mem>>, %arg11: memref<!tpu.dma_semaphore, #tpu.memory_space<semaphore_mem>>) attributes {dimension_semantics = [#tpu.dimension_semantics<core_parallel>, #tpu.dimension_semantics<subcore_parallel>], iteration_bounds = array<i64: 2, 16>, scalar_prefetch = 0 : i64, scratch_operands = 7 : i64, tpu.core_type = #tpu.core_type<sc_vector_subcore>, window_params = [{transform_indices = #map}, {transform_indices = #map1}, {transform_indices = #map1}]} {
    %mul3A = arith.constant 2 : i32
    %mul3A_0 = arith.muli %arg1, %mul3A : i32
    %add3A = arith.addi %mul3A_0, %arg0 : i32
    "tpu.region"() ({
      %run_scoped3A = tpu.sem_alloc : memref<!tpu.dma_semaphore, #tpu.memory_space<semaphore_mem>>
      %dma_start3A_53 = arith.constant 0 : i32
      %dma_start3A_54 = tpu.memref_slice %arg2[%add3A, %dma_start3A_53] : memref<32x32xi32, #tpu.memory_space<hbm>> -> memref<1x32xi32, #tpu.memory_space<hbm>>
      %dma_start3A_55 = tpu.memref_squeeze %dma_start3A_54 : memref<1x32xi32, #tpu.memory_space<hbm>> -> memref<32xi32, #tpu.memory_space<hbm>>
      %dma_start3A_56 = arith.constant 0 : i32
      %dma_start3A_57 = tpu.memref_slice %arg2[%add3A, %dma_start3A_56] : memref<32x32xi32, #tpu.memory_space<hbm>> -> memref<1x32xi32, #tpu.memory_space<hbm>>
      %dma_start3A_58 = tpu.memref_squeeze %dma_start3A_57 : memref<1x32xi32, #tpu.memory_space<hbm>> -> memref<32xi32, #tpu.memory_space<hbm>>
      tpu.enqueue_dma source(%dma_start3A_58 : memref<32xi32, #tpu.memory_space<hbm>>) target(%arg5 : memref<32xi32, #tpu.memory_space<vmem>>) target_semaphore(%run_scoped3A : memref<!tpu.dma_semaphore, #tpu.memory_space<semaphore_mem>>)
      %dma_wait3A_59 = arith.constant 0 : i32
      %dma_wait3A_60 = tpu.memref_slice %arg2[%add3A, %dma_wait3A_59] : memref<32x32xi32, #tpu.memory_space<hbm>> -> memref<1x32xi32, #tpu.memory_space<hbm>>
      %dma_wait3A_61 = tpu.memref_squeeze %dma_wait3A_60 : memref<1x32xi32, #tpu.memory_space<hbm>> -> memref<32xi32, #tpu.memory_space<hbm>>
      %dma_wait3A_62 = arith.constant 0 : i32
      %dma_wait3A_63 = tpu.memref_slice %arg2[%add3A, %dma_wait3A_62] : memref<32x32xi32, #tpu.memory_space<hbm>> -> memref<1x32xi32, #tpu.memory_space<hbm>>
      %dma_wait3A_64 = tpu.memref_squeeze %dma_wait3A_63 : memref<1x32xi32, #tpu.memory_space<hbm>> -> memref<32xi32, #tpu.memory_space<hbm>>
      tpu.wait_dma2 semaphore(%run_scoped3A : memref<!tpu.dma_semaphore, #tpu.memory_space<semaphore_mem>>) src(%dma_wait3A_64 : memref<32xi32, #tpu.memory_space<hbm>>) dst(%arg5 : memref<32xi32, #tpu.memory_space<vmem>>)
      tpu.yield
    }) : () -> ()
    %dma_start3A = arith.constant 0 : i32
    %dma_start3A_1 = tpu.memref_slice %arg5[%dma_start3A] : memref<32xi32, #tpu.memory_space<vmem>> -> memref<1xi32, #tpu.memory_space<vmem>>
    %dma_start3A_2 = arith.constant 0 : i32
    %dma_start3A_3 = arith.constant 0 : i32
    %dma_start3A_4 = arith.constant 0 : i32
    %dma_start3A_5 = tpu.memref_slice %arg3[%dma_start3A_2, %dma_start3A_3, %dma_start3A_4] : memref<128x8x4096xf32, #tpu.memory_space<hbm>> -> memref<128x8x4096xf32, #tpu.memory_space<hbm>>
    tpu.enqueue_indirect_dma source(%dma_start3A_5 : memref<128x8x4096xf32, #tpu.memory_space<hbm>>) target(%arg6 : memref<1x8x4096xf32, #tpu.memory_space<vmem>>) offsets(%dma_start3A_1 : memref<1xi32, #tpu.memory_space<vmem>>) semaphore(%arg8 : memref<!tpu.dma_semaphore, #tpu.memory_space<semaphore_mem>>)
    %dma_start3A_6 = arith.constant 16 : i32
    %dma_start3A_7 = tpu.memref_slice %arg5[%dma_start3A_6] : memref<32xi32, #tpu.memory_space<vmem>> -> memref<1xi32, #tpu.memory_space<vmem>>
    %dma_start3A_8 = arith.constant 0 : i32
    %dma_start3A_9 = arith.constant 0 : i32
    %dma_start3A_10 = arith.constant 0 : i32
    %dma_start3A_11 = tpu.memref_slice %arg3[%dma_start3A_8, %dma_start3A_9, %dma_start3A_10] : memref<128x8x4096xf32, #tpu.memory_space<hbm>> -> memref<128x8x4096xf32, #tpu.memory_space<hbm>>
    tpu.enqueue_indirect_dma source(%dma_start3A_11 : memref<128x8x4096xf32, #tpu.memory_space<hbm>>) target(%arg7 : memref<1x8x4096xf32, #tpu.memory_space<vmem>>) offsets(%dma_start3A_7 : memref<1xi32, #tpu.memory_space<vmem>>) semaphore(%arg9 : memref<!tpu.dma_semaphore, #tpu.memory_space<semaphore_mem>>)
    %dma_wait3A = arith.constant 0 : i32
    %dma_wait3A_12 = tpu.memref_slice %arg5[%dma_wait3A] : memref<32xi32, #tpu.memory_space<vmem>> -> memref<1xi32, #tpu.memory_space<vmem>>
    %dma_wait3A_13 = arith.constant 0 : i32
    %dma_wait3A_14 = arith.constant 0 : i32
    %dma_wait3A_15 = arith.constant 0 : i32
    %dma_wait3A_16 = tpu.memref_slice %arg3[%dma_wait3A_13, %dma_wait3A_14, %dma_wait3A_15] : memref<128x8x4096xf32, #tpu.memory_space<hbm>> -> memref<128x8x4096xf32, #tpu.memory_space<hbm>>
    tpu.wait_indirect_dma semaphore(%arg8 : memref<!tpu.dma_semaphore, #tpu.memory_space<semaphore_mem>>) src(%dma_wait3A_16 : memref<128x8x4096xf32, #tpu.memory_space<hbm>>) dst(%arg6 : memref<1x8x4096xf32, #tpu.memory_space<vmem>>)
    %mul3A_17 = arith.constant 2 : i32
    %mul3A_18 = arith.muli %add3A, %mul3A_17 : i32
    %dma_start3A_19 = arith.constant 0 : i32
    %dma_start3A_20 = arith.constant 0 : i32
    %dma_start3A_21 = tpu.memref_slice %arg4[%mul3A_18, %dma_start3A_19, %dma_start3A_20] : memref<64x8x4096xf32, #tpu.memory_space<hbm>> -> memref<1x8x4096xf32, #tpu.memory_space<hbm>>
    %dma_start3A_22 = arith.constant 0 : i32
    %dma_start3A_23 = arith.constant 0 : i32
    %dma_start3A_24 = tpu.memref_slice %arg4[%mul3A_18, %dma_start3A_22, %dma_start3A_23] : memref<64x8x4096xf32, #tpu.memory_space<hbm>> -> memref<1x8x4096xf32, #tpu.memory_space<hbm>>
    tpu.enqueue_dma source(%arg6 : memref<1x8x4096xf32, #tpu.memory_space<vmem>>) target(%dma_start3A_24 : memref<1x8x4096xf32, #tpu.memory_space<hbm>>) target_semaphore(%arg10 : memref<!tpu.dma_semaphore, #tpu.memory_space<semaphore_mem>>)
    %dma_wait3A_25 = arith.constant 16 : i32
    %dma_wait3A_26 = tpu.memref_slice %arg5[%dma_wait3A_25] : memref<32xi32, #tpu.memory_space<vmem>> -> memref<1xi32, #tpu.memory_space<vmem>>
    %dma_wait3A_27 = arith.constant 0 : i32
    %dma_wait3A_28 = arith.constant 0 : i32
    %dma_wait3A_29 = arith.constant 0 : i32
    %dma_wait3A_30 = tpu.memref_slice %arg3[%dma_wait3A_27, %dma_wait3A_28, %dma_wait3A_29] : memref<128x8x4096xf32, #tpu.memory_space<hbm>> -> memref<128x8x4096xf32, #tpu.memory_space<hbm>>
    tpu.wait_indirect_dma semaphore(%arg9 : memref<!tpu.dma_semaphore, #tpu.memory_space<semaphore_mem>>) src(%dma_wait3A_30 : memref<128x8x4096xf32, #tpu.memory_space<hbm>>) dst(%arg7 : memref<1x8x4096xf32, #tpu.memory_space<vmem>>)
    %mul3A_31 = arith.constant 2 : i32
    %mul3A_32 = arith.muli %add3A, %mul3A_31 : i32
    %add3A_33 = arith.constant 1 : i32
    %add3A_34 = arith.addi %mul3A_32, %add3A_33 : i32
    %dma_start3A_35 = arith.constant 0 : i32
    %dma_start3A_36 = arith.constant 0 : i32
    %dma_start3A_37 = tpu.memref_slice %arg4[%add3A_34, %dma_start3A_35, %dma_start3A_36] : memref<64x8x4096xf32, #tpu.memory_space<hbm>> -> memref<1x8x4096xf32, #tpu.memory_space<hbm>>
    %dma_start3A_38 = arith.constant 0 : i32
    %dma_start3A_39 = arith.constant 0 : i32
    %dma_start3A_40 = tpu.memref_slice %arg4[%add3A_34, %dma_start3A_38, %dma_start3A_39] : memref<64x8x4096xf32, #tpu.memory_space<hbm>> -> memref<1x8x4096xf32, #tpu.memory_space<hbm>>
    tpu.enqueue_dma source(%arg7 : memref<1x8x4096xf32, #tpu.memory_space<vmem>>) target(%dma_start3A_40 : memref<1x8x4096xf32, #tpu.memory_space<hbm>>) target_semaphore(%arg11 : memref<!tpu.dma_semaphore, #tpu.memory_space<semaphore_mem>>)
    %dma_wait3A_41 = arith.constant 0 : i32
    %dma_wait3A_42 = arith.constant 0 : i32
    %dma_wait3A_43 = tpu.memref_slice %arg4[%mul3A_18, %dma_wait3A_41, %dma_wait3A_42] : memref<64x8x4096xf32, #tpu.memory_space<hbm>> -> memref<1x8x4096xf32, #tpu.memory_space<hbm>>
    %dma_wait3A_44 = arith.constant 0 : i32
    %dma_wait3A_45 = arith.constant 0 : i32
    %dma_wait3A_46 = tpu.memref_slice %arg4[%mul3A_18, %dma_wait3A_44, %dma_wait3A_45] : memref<64x8x4096xf32, #tpu.memory_space<hbm>> -> memref<1x8x4096xf32, #tpu.memory_space<hbm>>
    tpu.wait_dma2 semaphore(%arg10 : memref<!tpu.dma_semaphore, #tpu.memory_space<semaphore_mem>>) src(%arg6 : memref<1x8x4096xf32, #tpu.memory_space<vmem>>) dst(%dma_wait3A_46 : memref<1x8x4096xf32, #tpu.memory_space<hbm>>)
    %dma_wait3A_47 = arith.constant 0 : i32
    %dma_wait3A_48 = arith.constant 0 : i32
    %dma_wait3A_49 = tpu.memref_slice %arg4[%add3A_34, %dma_wait3A_47, %dma_wait3A_48] : memref<64x8x4096xf32, #tpu.memory_space<hbm>> -> memref<1x8x4096xf32, #tpu.memory_space<hbm>>
    %dma_wait3A_50 = arith.constant 0 : i32
    %dma_wait3A_51 = arith.constant 0 : i32
    %dma_wait3A_52 = tpu.memref_slice %arg4[%add3A_34, %dma_wait3A_50, %dma_wait3A_51] : memref<64x8x4096xf32, #tpu.memory_space<hbm>> -> memref<1x8x4096xf32, #tpu.memory_space<hbm>>
    tpu.wait_dma2 semaphore(%arg11 : memref<!tpu.dma_semaphore, #tpu.memory_space<semaphore_mem>>) src(%arg7 : memref<1x8x4096xf32, #tpu.memory_space<vmem>>) dst(%dma_wait3A_52 : memref<1x8x4096xf32, #tpu.memory_space<hbm>>)
    return
  }
}

module attributes {stable_mosaic.version = 14 : i64} {
  func.func @_simout_body(%arg0: memref<4x4096xf32, #tpu.memory_space<vmem>>, %arg1: memref<64x4096xf32, #tpu.memory_space<vmem>>, %arg2: memref<32x32xi32, #tpu.memory_space<vmem>>, %arg3: memref<32x4096xf32, #tpu.memory_space<vmem>>) attributes {dimension_semantics = [], scalar_prefetch = 0 : i64, scratch_operands = 0 : i64, tpu.core_type = #tpu.core_type<tc>} {
    %get3A = arith.constant 0 : index
    %get3A_0 = arith.constant 0 : index
    %get3A_1 = vector.load %arg0[%get3A, %get3A_0] : memref<4x4096xf32, #tpu.memory_space<vmem>>, vector<4x4096xf32>
    %get3A_2 = arith.constant 0 : index
    %get3A_3 = arith.constant 0 : index
    %get3A_4 = vector.load %arg1[%get3A_2, %get3A_3] : memref<64x4096xf32, #tpu.memory_space<vmem>>, vector<64x4096xf32>
    %mul3A = arith.mulf %get3A_4, %get3A_4 : vector<64x4096xf32>
    %reduce_sum3A = arith.constant dense<0.000000e+00> : vector<64xf32>
    %reduce_sum3A_5 = vector.multi_reduction <add>, %mul3A, %reduce_sum3A [1] : vector<64x4096xf32> to vector<64xf32>
    %broadcast_in_dim3A = vector.shape_cast %reduce_sum3A_5 : vector<64xf32> to vector<64x1xf32>
    %max3A = arith.constant 9.99999996E-13 : f32
    %max3A_6 = vector.broadcast %max3A : f32 to vector<64x1xf32>
    %max3A_7 = arith.maximumf %broadcast_in_dim3A, %max3A_6 : vector<64x1xf32>
    %rsqrt3A = math.rsqrt %max3A_7 : vector<64x1xf32>
    %mul3A_8 = vector.broadcast %rsqrt3A : vector<64x1xf32> to vector<64x4096xf32>
    %mul3A_9 = arith.mulf %get3A_4, %mul3A_8 : vector<64x4096xf32>
    %mul3A_10 = arith.mulf %get3A_1, %get3A_1 : vector<4x4096xf32>
    %reduce_sum3A_11 = arith.constant dense<0.000000e+00> : vector<4xf32>
    %reduce_sum3A_12 = vector.multi_reduction <add>, %mul3A_10, %reduce_sum3A_11 [1] : vector<4x4096xf32> to vector<4xf32>
    %broadcast_in_dim3A_13 = vector.shape_cast %reduce_sum3A_12 : vector<4xf32> to vector<4x1xf32>
    %max3A_14 = arith.constant 9.99999996E-13 : f32
    %max3A_15 = vector.broadcast %max3A_14 : f32 to vector<4x1xf32>
    %max3A_16 = arith.maximumf %broadcast_in_dim3A_13, %max3A_15 : vector<4x1xf32>
    %rsqrt3A_17 = math.rsqrt %max3A_16 : vector<4x1xf32>
    %mul3A_18 = vector.broadcast %rsqrt3A_17 : vector<4x1xf32> to vector<4x4096xf32>
    %mul3A_19 = arith.mulf %get3A_1, %mul3A_18 : vector<4x4096xf32>
    %get3A_20 = arith.constant 0 : index
    %get3A_21 = arith.constant 0 : index
    %get3A_22 = vector.load %arg2[%get3A_20, %get3A_21] : memref<32x32xi32, #tpu.memory_space<vmem>>, vector<32x32xi32>
    %div3A = arith.constant 2 : i32
    %div3A_23 = vector.broadcast %div3A : i32 to vector<32x32xi32>
    %div3A_24 = arith.divsi %get3A_22, %div3A_23 : vector<32x32xi32>
    %iota3A = tpu.iota {dimensions = array<i32: 1>} : vector<32x64xi32>
    %slice3A = vector.extract_strided_slice %div3A_24 {offsets = [0, 0], sizes = [32, 1], strides = [1, 1]} : vector<32x32xi32> to vector<32x1xi32>
    %eq3A = vector.broadcast %slice3A : vector<32x1xi32> to vector<32x64xi32>
    %eq3A_25 = arith.cmpi eq, %iota3A, %eq3A : vector<32x64xi32>
    %convert_element_type3A = arith.extui %eq3A_25 : vector<32x64xi1> to vector<32x64xi32>
    %convert_element_type3A_26 = arith.sitofp %convert_element_type3A : vector<32x64xi32> to vector<32x64xf32>
    %dot_general3A = arith.constant dense<0.000000e+00> : vector<32x4096xf32>
    %dot_general3A_27 = tpu.matmul %convert_element_type3A_26, %mul3A_9, %dot_general3A {dimension_numbers = #tpu.dot_dimension_numbers<[1], [0], [0], [1], [0, 0, 1, 1], [], []>, transpose_lhs_hint = false} : vector<32x64xf32>, vector<64x4096xf32>, vector<32x4096xf32> -> vector<32x4096xf32>
    %iota3A_28 = tpu.iota {dimensions = array<i32: 0>} : vector<32x4xi32>
    %div3A_29 = arith.constant 8 : i32
    %div3A_30 = vector.broadcast %div3A_29 : i32 to vector<32x4xi32>
    %div3A_31 = arith.divsi %iota3A_28, %div3A_30 : vector<32x4xi32>
    %iota3A_32 = tpu.iota {dimensions = array<i32: 1>} : vector<32x4xi32>
    %eq3A_33 = arith.cmpi eq, %div3A_31, %iota3A_32 : vector<32x4xi32>
    %convert_element_type3A_34 = arith.extui %eq3A_33 : vector<32x4xi1> to vector<32x4xi32>
    %convert_element_type3A_35 = arith.sitofp %convert_element_type3A_34 : vector<32x4xi32> to vector<32x4xf32>
    %dot_general3A_36 = arith.constant dense<0.000000e+00> : vector<32x4096xf32>
    %dot_general3A_37 = tpu.matmul %convert_element_type3A_35, %mul3A_19, %dot_general3A_36 {dimension_numbers = #tpu.dot_dimension_numbers<[1], [0], [0], [1], [0, 0, 1, 1], [], []>, transpose_lhs_hint = false} : vector<32x4xf32>, vector<4x4096xf32>, vector<32x4096xf32> -> vector<32x4096xf32>
    %mul3A_38 = arith.mulf %dot_general3A_27, %dot_general3A_37 : vector<32x4096xf32>
    %swap3A = arith.constant 0 : index
    %swap3A_39 = arith.constant 0 : index
    %swap3A_40 = vector.load %arg3[%swap3A, %swap3A_39] : memref<32x4096xf32, #tpu.memory_space<vmem>>, vector<32x4096xf32>
    tpu.vector_store %arg3[%swap3A, %swap3A_39], %mul3A_38 {strides = array<i32>} : memref<32x4096xf32, #tpu.memory_space<vmem>>, vector<32x4096xf32>,
    return
  }
}

module attributes {stable_mosaic.version = 14 : i64} {
  func.func @_select_body(%arg0: memref<4x4096xf32, #tpu.memory_space<vmem>>, %arg1: memref<64x4096xf32, #tpu.memory_space<vmem>>, %arg2: memref<32x32xi32, #tpu.memory_space<vmem>>) attributes {dimension_semantics = [], scalar_prefetch = 0 : i64, scratch_operands = 0 : i64, tpu.core_type = #tpu.core_type<tc>} {
    %get3A = arith.constant 0 : index
    %get3A_0 = arith.constant 0 : index
    %get3A_1 = vector.load %arg0[%get3A, %get3A_0] : memref<4x4096xf32, #tpu.memory_space<vmem>>, vector<4x4096xf32>
    %get3A_2 = arith.constant 0 : index
    %get3A_3 = arith.constant 0 : index
    %get3A_4 = vector.load %arg1[%get3A_2, %get3A_3] : memref<64x4096xf32, #tpu.memory_space<vmem>>, vector<64x4096xf32>
    %mul3A = arith.mulf %get3A_4, %get3A_4 : vector<64x4096xf32>
    %reduce_sum3A = arith.constant dense<0.000000e+00> : vector<64xf32>
    %reduce_sum3A_5 = vector.multi_reduction <add>, %mul3A, %reduce_sum3A [1] : vector<64x4096xf32> to vector<64xf32>
    %broadcast_in_dim3A = vector.shape_cast %reduce_sum3A_5 : vector<64xf32> to vector<64x1xf32>
    %max3A = arith.constant 9.99999996E-13 : f32
    %max3A_6 = vector.broadcast %max3A : f32 to vector<64x1xf32>
    %max3A_7 = arith.maximumf %broadcast_in_dim3A, %max3A_6 : vector<64x1xf32>
    %rsqrt3A = math.rsqrt %max3A_7 : vector<64x1xf32>
    %mul3A_8 = vector.broadcast %rsqrt3A : vector<64x1xf32> to vector<64x4096xf32>
    %mul3A_9 = arith.mulf %get3A_4, %mul3A_8 : vector<64x4096xf32>
    %mul3A_10 = arith.mulf %get3A_1, %get3A_1 : vector<4x4096xf32>
    %reduce_sum3A_11 = arith.constant dense<0.000000e+00> : vector<4xf32>
    %reduce_sum3A_12 = vector.multi_reduction <add>, %mul3A_10, %reduce_sum3A_11 [1] : vector<4x4096xf32> to vector<4xf32>
    %broadcast_in_dim3A_13 = vector.shape_cast %reduce_sum3A_12 : vector<4xf32> to vector<4x1xf32>
    %max3A_14 = arith.constant 9.99999996E-13 : f32
    %max3A_15 = vector.broadcast %max3A_14 : f32 to vector<4x1xf32>
    %max3A_16 = arith.maximumf %broadcast_in_dim3A_13, %max3A_15 : vector<4x1xf32>
    %rsqrt3A_17 = math.rsqrt %max3A_16 : vector<4x1xf32>
    %mul3A_18 = vector.broadcast %rsqrt3A_17 : vector<4x1xf32> to vector<4x4096xf32>
    %mul3A_19 = arith.mulf %get3A_1, %mul3A_18 : vector<4x4096xf32>
    %dot_general3A = arith.constant dense<0.000000e+00> : vector<4x64xf32>
    %dot_general3A_20 = tpu.matmul %mul3A_19, %mul3A_9, %dot_general3A {dimension_numbers = #tpu.dot_dimension_numbers<[1], [1], [0], [0], [0, 0, 1, 0], [], []>, transpose_lhs_hint = false} : vector<4x4096xf32>, vector<64x4096xf32>, vector<4x64xf32> -> vector<4x64xf32>
    %iota3A = tpu.iota {dimensions = array<i32: 1>} : vector<4x64xi32>
    %iota3A_21 = tpu.iota {dimensions = array<i32: 1>} : vector<4x8xi32>
    %broadcast_in_dim3A_22 = arith.constant 0.000000e+00 : f32
    %broadcast_in_dim3A_23 = vector.broadcast %broadcast_in_dim3A_22 : f32 to vector<4x8xf32>
    %reduce_max3A = arith.constant dense<0xFF800000> : vector<4xf32>
    %reduce_max3A_24 = vector.multi_reduction <maximumf>, %dot_general3A_20, %reduce_max3A [1] : vector<4x64xf32> to vector<4xf32>
    %broadcast_in_dim3A_25 = vector.shape_cast %reduce_max3A_24 : vector<4xf32> to vector<4x1xf32>
    %eq3A = vector.broadcast %broadcast_in_dim3A_25 : vector<4x1xf32> to vector<4x64xf32>
    %eq3A_26 = arith.cmpf oeq, %dot_general3A_20, %eq3A : vector<4x64xf32>
    %jit3A = arith.constant 64 : i32
    %broadcast_in_dim3A_27 = vector.broadcast %jit3A : i32 to vector<4x64xi32>
    %select_n3A = arith.select %eq3A_26, %iota3A, %broadcast_in_dim3A_27 : vector<4x64xi1>, vector<4x64xi32>
    %reduce_min3A = arith.constant dense<2147483647> : vector<4xi32>
    %reduce_min3A_28 = vector.multi_reduction <minsi>, %select_n3A, %reduce_min3A [1] : vector<4x64xi32> to vector<4xi32>
    %broadcast_in_dim3A_29 = vector.shape_cast %reduce_min3A_28 : vector<4xi32> to vector<4x1xi32>
    %eq3A_30 = arith.constant 0 : i32
    %eq3A_31 = vector.broadcast %eq3A_30 : i32 to vector<4x8xi32>
    %eq3A_32 = arith.cmpi eq, %iota3A_21, %eq3A_31 : vector<4x8xi32>
    %convert_element_type3A = arith.sitofp %broadcast_in_dim3A_29 : vector<4x1xi32> to vector<4x1xf32>
    %broadcast_in_dim3A_33 = vector.shape_cast %convert_element_type3A : vector<4x1xf32> to vector<4x1xf32>
    %broadcast_in_dim3A_34 = vector.broadcast %broadcast_in_dim3A_33 : vector<4x1xf32> to vector<4x8xf32>
    %select_n3A_35 = arith.select %eq3A_32, %broadcast_in_dim3A_34, %broadcast_in_dim3A_23 : vector<4x8xi1>, vector<4x8xf32>
    %eq3A_36 = vector.broadcast %broadcast_in_dim3A_29 : vector<4x1xi32> to vector<4x64xi32>
    %eq3A_37 = arith.cmpi eq, %iota3A, %eq3A_36 : vector<4x64xi32>
    %jit3A_38 = arith.constant 0xFF800000 : f32
    %broadcast_in_dim3A_39 = vector.broadcast %jit3A_38 : f32 to vector<4x64xf32>
    %select_n3A_40 = arith.select %eq3A_37, %broadcast_in_dim3A_39, %dot_general3A_20 : vector<4x64xi1>, vector<4x64xf32>
    %reduce_max3A_41 = arith.constant dense<0xFF800000> : vector<4xf32>
    %reduce_max3A_42 = vector.multi_reduction <maximumf>, %select_n3A_40, %reduce_max3A_41 [1] : vector<4x64xf32> to vector<4xf32>
    %broadcast_in_dim3A_43 = vector.shape_cast %reduce_max3A_42 : vector<4xf32> to vector<4x1xf32>
    %eq3A_44 = vector.broadcast %broadcast_in_dim3A_43 : vector<4x1xf32> to vector<4x64xf32>
    %eq3A_45 = arith.cmpf oeq, %select_n3A_40, %eq3A_44 : vector<4x64xf32>
    %jit3A_46 = arith.constant 64 : i32
    %broadcast_in_dim3A_47 = vector.broadcast %jit3A_46 : i32 to vector<4x64xi32>
    %select_n3A_48 = arith.select %eq3A_45, %iota3A, %broadcast_in_dim3A_47 : vector<4x64xi1>, vector<4x64xi32>
    %reduce_min3A_49 = arith.constant dense<2147483647> : vector<4xi32>
    %reduce_min3A_50 = vector.multi_reduction <minsi>, %select_n3A_48, %reduce_min3A_49 [1] : vector<4x64xi32> to vector<4xi32>
    %broadcast_in_dim3A_51 = vector.shape_cast %reduce_min3A_50 : vector<4xi32> to vector<4x1xi32>
    %eq3A_52 = arith.constant 1 : i32
    %eq3A_53 = vector.broadcast %eq3A_52 : i32 to vector<4x8xi32>
    %eq3A_54 = arith.cmpi eq, %iota3A_21, %eq3A_53 : vector<4x8xi32>
    %convert_element_type3A_55 = arith.sitofp %broadcast_in_dim3A_51 : vector<4x1xi32> to vector<4x1xf32>
    %broadcast_in_dim3A_56 = vector.shape_cast %convert_element_type3A_55 : vector<4x1xf32> to vector<4x1xf32>
    %broadcast_in_dim3A_57 = vector.broadcast %broadcast_in_dim3A_56 : vector<4x1xf32> to vector<4x8xf32>
    %select_n3A_58 = arith.select %eq3A_54, %broadcast_in_dim3A_57, %select_n3A_35 : vector<4x8xi1>, vector<4x8xf32>
    %eq3A_59 = vector.broadcast %broadcast_in_dim3A_51 : vector<4x1xi32> to vector<4x64xi32>
    %eq3A_60 = arith.cmpi eq, %iota3A, %eq3A_59 : vector<4x64xi32>
    %jit3A_61 = arith.constant 0xFF800000 : f32
    %broadcast_in_dim3A_62 = vector.broadcast %jit3A_61 : f32 to vector<4x64xf32>
    %select_n3A_63 = arith.select %eq3A_60, %broadcast_in_dim3A_62, %select_n3A_40 : vector<4x64xi1>, vector<4x64xf32>
    %reduce_max3A_64 = arith.constant dense<0xFF800000> : vector<4xf32>
    %reduce_max3A_65 = vector.multi_reduction <maximumf>, %select_n3A_63, %reduce_max3A_64 [1] : vector<4x64xf32> to vector<4xf32>
    %broadcast_in_dim3A_66 = vector.shape_cast %reduce_max3A_65 : vector<4xf32> to vector<4x1xf32>
    %eq3A_67 = vector.broadcast %broadcast_in_dim3A_66 : vector<4x1xf32> to vector<4x64xf32>
    %eq3A_68 = arith.cmpf oeq, %select_n3A_63, %eq3A_67 : vector<4x64xf32>
    %jit3A_69 = arith.constant 64 : i32
    %broadcast_in_dim3A_70 = vector.broadcast %jit3A_69 : i32 to vector<4x64xi32>
    %select_n3A_71 = arith.select %eq3A_68, %iota3A, %broadcast_in_dim3A_70 : vector<4x64xi1>, vector<4x64xi32>
    %reduce_min3A_72 = arith.constant dense<2147483647> : vector<4xi32>
    %reduce_min3A_73 = vector.multi_reduction <minsi>, %select_n3A_71, %reduce_min3A_72 [1] : vector<4x64xi32> to vector<4xi32>
    %broadcast_in_dim3A_74 = vector.shape_cast %reduce_min3A_73 : vector<4xi32> to vector<4x1xi32>
    %eq3A_75 = arith.constant 2 : i32
    %eq3A_76 = vector.broadcast %eq3A_75 : i32 to vector<4x8xi32>
    %eq3A_77 = arith.cmpi eq, %iota3A_21, %eq3A_76 : vector<4x8xi32>
    %convert_element_type3A_78 = arith.sitofp %broadcast_in_dim3A_74 : vector<4x1xi32> to vector<4x1xf32>
    %broadcast_in_dim3A_79 = vector.shape_cast %convert_element_type3A_78 : vector<4x1xf32> to vector<4x1xf32>
    %broadcast_in_dim3A_80 = vector.broadcast %broadcast_in_dim3A_79 : vector<4x1xf32> to vector<4x8xf32>
    %select_n3A_81 = arith.select %eq3A_77, %broadcast_in_dim3A_80, %select_n3A_58 : vector<4x8xi1>, vector<4x8xf32>
    %eq3A_82 = vector.broadcast %broadcast_in_dim3A_74 : vector<4x1xi32> to vector<4x64xi32>
    %eq3A_83 = arith.cmpi eq, %iota3A, %eq3A_82 : vector<4x64xi32>
    %jit3A_84 = arith.constant 0xFF800000 : f32
    %broadcast_in_dim3A_85 = vector.broadcast %jit3A_84 : f32 to vector<4x64xf32>
    %select_n3A_86 = arith.select %eq3A_83, %broadcast_in_dim3A_85, %select_n3A_63 : vector<4x64xi1>, vector<4x64xf32>
    %reduce_max3A_87 = arith.constant dense<0xFF800000> : vector<4xf32>
    %reduce_max3A_88 = vector.multi_reduction <maximumf>, %select_n3A_86, %reduce_max3A_87 [1] : vector<4x64xf32> to vector<4xf32>
    %broadcast_in_dim3A_89 = vector.shape_cast %reduce_max3A_88 : vector<4xf32> to vector<4x1xf32>
    %eq3A_90 = vector.broadcast %broadcast_in_dim3A_89 : vector<4x1xf32> to vector<4x64xf32>
    %eq3A_91 = arith.cmpf oeq, %select_n3A_86, %eq3A_90 : vector<4x64xf32>
    %jit3A_92 = arith.constant 64 : i32
    %broadcast_in_dim3A_93 = vector.broadcast %jit3A_92 : i32 to vector<4x64xi32>
    %select_n3A_94 = arith.select %eq3A_91, %iota3A, %broadcast_in_dim3A_93 : vector<4x64xi1>, vector<4x64xi32>
    %reduce_min3A_95 = arith.constant dense<2147483647> : vector<4xi32>
    %reduce_min3A_96 = vector.multi_reduction <minsi>, %select_n3A_94, %reduce_min3A_95 [1] : vector<4x64xi32> to vector<4xi32>
    %broadcast_in_dim3A_97 = vector.shape_cast %reduce_min3A_96 : vector<4xi32> to vector<4x1xi32>
    %eq3A_98 = arith.constant 3 : i32
    %eq3A_99 = vector.broadcast %eq3A_98 : i32 to vector<4x8xi32>
    %eq3A_100 = arith.cmpi eq, %iota3A_21, %eq3A_99 : vector<4x8xi32>
    %convert_element_type3A_101 = arith.sitofp %broadcast_in_dim3A_97 : vector<4x1xi32> to vector<4x1xf32>
    %broadcast_in_dim3A_102 = vector.shape_cast %convert_element_type3A_101 : vector<4x1xf32> to vector<4x1xf32>
    %broadcast_in_dim3A_103 = vector.broadcast %broadcast_in_dim3A_102 : vector<4x1xf32> to vector<4x8xf32>
    %select_n3A_104 = arith.select %eq3A_100, %broadcast_in_dim3A_103, %select_n3A_81 : vector<4x8xi1>, vector<4x8xf32>
    %eq3A_105 = vector.broadcast %broadcast_in_dim3A_97 : vector<4x1xi32> to vector<4x64xi32>
    %eq3A_106 = arith.cmpi eq, %iota3A, %eq3A_105 : vector<4x64xi32>
    %jit3A_107 = arith.constant 0xFF800000 : f32
    %broadcast_in_dim3A_108 = vector.broadcast %jit3A_107 : f32 to vector<4x64xf32>
    %select_n3A_109 = arith.select %eq3A_106, %broadcast_in_dim3A_108, %select_n3A_86 : vector<4x64xi1>, vector<4x64xf32>
    %reduce_max3A_110 = arith.constant dense<0xFF800000> : vector<4xf32>
    %reduce_max3A_111 = vector.multi_reduction <maximumf>, %select_n3A_109, %reduce_max3A_110 [1] : vector<4x64xf32> to vector<4xf32>
    %broadcast_in_dim3A_112 = vector.shape_cast %reduce_max3A_111 : vector<4xf32> to vector<4x1xf32>
    %eq3A_113 = vector.broadcast %broadcast_in_dim3A_112 : vector<4x1xf32> to vector<4x64xf32>
    %eq3A_114 = arith.cmpf oeq, %select_n3A_109, %eq3A_113 : vector<4x64xf32>
    %jit3A_115 = arith.constant 64 : i32
    %broadcast_in_dim3A_116 = vector.broadcast %jit3A_115 : i32 to vector<4x64xi32>
    %select_n3A_117 = arith.select %eq3A_114, %iota3A, %broadcast_in_dim3A_116 : vector<4x64xi1>, vector<4x64xi32>
    %reduce_min3A_118 = arith.constant dense<2147483647> : vector<4xi32>
    %reduce_min3A_119 = vector.multi_reduction <minsi>, %select_n3A_117, %reduce_min3A_118 [1] : vector<4x64xi32> to vector<4xi32>
    %broadcast_in_dim3A_120 = vector.shape_cast %reduce_min3A_119 : vector<4xi32> to vector<4x1xi32>
    %eq3A_121 = arith.constant 4 : i32
    %eq3A_122 = vector.broadcast %eq3A_121 : i32 to vector<4x8xi32>
    %eq3A_123 = arith.cmpi eq, %iota3A_21, %eq3A_122 : vector<4x8xi32>
    %convert_element_type3A_124 = arith.sitofp %broadcast_in_dim3A_120 : vector<4x1xi32> to vector<4x1xf32>
    %broadcast_in_dim3A_125 = vector.shape_cast %convert_element_type3A_124 : vector<4x1xf32> to vector<4x1xf32>
    %broadcast_in_dim3A_126 = vector.broadcast %broadcast_in_dim3A_125 : vector<4x1xf32> to vector<4x8xf32>
    %select_n3A_127 = arith.select %eq3A_123, %broadcast_in_dim3A_126, %select_n3A_104 : vector<4x8xi1>, vector<4x8xf32>
    %eq3A_128 = vector.broadcast %broadcast_in_dim3A_120 : vector<4x1xi32> to vector<4x64xi32>
    %eq3A_129 = arith.cmpi eq, %iota3A, %eq3A_128 : vector<4x64xi32>
    %jit3A_130 = arith.constant 0xFF800000 : f32
    %broadcast_in_dim3A_131 = vector.broadcast %jit3A_130 : f32 to vector<4x64xf32>
    %select_n3A_132 = arith.select %eq3A_129, %broadcast_in_dim3A_131, %select_n3A_109 : vector<4x64xi1>, vector<4x64xf32>
    %reduce_max3A_133 = arith.constant dense<0xFF800000> : vector<4xf32>
    %reduce_max3A_134 = vector.multi_reduction <maximumf>, %select_n3A_132, %reduce_max3A_133 [1] : vector<4x64xf32> to vector<4xf32>
    %broadcast_in_dim3A_135 = vector.shape_cast %reduce_max3A_134 : vector<4xf32> to vector<4x1xf32>
    %eq3A_136 = vector.broadcast %broadcast_in_dim3A_135 : vector<4x1xf32> to vector<4x64xf32>
    %eq3A_137 = arith.cmpf oeq, %select_n3A_132, %eq3A_136 : vector<4x64xf32>
    %jit3A_138 = arith.constant 64 : i32
    %broadcast_in_dim3A_139 = vector.broadcast %jit3A_138 : i32 to vector<4x64xi32>
    %select_n3A_140 = arith.select %eq3A_137, %iota3A, %broadcast_in_dim3A_139 : vector<4x64xi1>, vector<4x64xi32>
    %reduce_min3A_141 = arith.constant dense<2147483647> : vector<4xi32>
    %reduce_min3A_142 = vector.multi_reduction <minsi>, %select_n3A_140, %reduce_min3A_141 [1] : vector<4x64xi32> to vector<4xi32>
    %broadcast_in_dim3A_143 = vector.shape_cast %reduce_min3A_142 : vector<4xi32> to vector<4x1xi32>
    %eq3A_144 = arith.constant 5 : i32
    %eq3A_145 = vector.broadcast %eq3A_144 : i32 to vector<4x8xi32>
    %eq3A_146 = arith.cmpi eq, %iota3A_21, %eq3A_145 : vector<4x8xi32>
    %convert_element_type3A_147 = arith.sitofp %broadcast_in_dim3A_143 : vector<4x1xi32> to vector<4x1xf32>
    %broadcast_in_dim3A_148 = vector.shape_cast %convert_element_type3A_147 : vector<4x1xf32> to vector<4x1xf32>
    %broadcast_in_dim3A_149 = vector.broadcast %broadcast_in_dim3A_148 : vector<4x1xf32> to vector<4x8xf32>
    %select_n3A_150 = arith.select %eq3A_146, %broadcast_in_dim3A_149, %select_n3A_127 : vector<4x8xi1>, vector<4x8xf32>
    %eq3A_151 = vector.broadcast %broadcast_in_dim3A_143 : vector<4x1xi32> to vector<4x64xi32>
    %eq3A_152 = arith.cmpi eq, %iota3A, %eq3A_151 : vector<4x64xi32>
    %jit3A_153 = arith.constant 0xFF800000 : f32
    %broadcast_in_dim3A_154 = vector.broadcast %jit3A_153 : f32 to vector<4x64xf32>
    %select_n3A_155 = arith.select %eq3A_152, %broadcast_in_dim3A_154, %select_n3A_132 : vector<4x64xi1>, vector<4x64xf32>
    %reduce_max3A_156 = arith.constant dense<0xFF800000> : vector<4xf32>
    %reduce_max3A_157 = vector.multi_reduction <maximumf>, %select_n3A_155, %reduce_max3A_156 [1] : vector<4x64xf32> to vector<4xf32>
    %broadcast_in_dim3A_158 = vector.shape_cast %reduce_max3A_157 : vector<4xf32> to vector<4x1xf32>
    %eq3A_159 = vector.broadcast %broadcast_in_dim3A_158 : vector<4x1xf32> to vector<4x64xf32>
    %eq3A_160 = arith.cmpf oeq, %select_n3A_155, %eq3A_159 : vector<4x64xf32>
    %jit3A_161 = arith.constant 64 : i32
    %broadcast_in_dim3A_162 = vector.broadcast %jit3A_161 : i32 to vector<4x64xi32>
    %select_n3A_163 = arith.select %eq3A_160, %iota3A, %broadcast_in_dim3A_162 : vector<4x64xi1>, vector<4x64xi32>
    %reduce_min3A_164 = arith.constant dense<2147483647> : vector<4xi32>
    %reduce_min3A_165 = vector.multi_reduction <minsi>, %select_n3A_163, %reduce_min3A_164 [1] : vector<4x64xi32> to vector<4xi32>
    %broadcast_in_dim3A_166 = vector.shape_cast %reduce_min3A_165 : vector<4xi32> to vector<4x1xi32>
    %eq3A_167 = arith.constant 6 : i32
    %eq3A_168 = vector.broadcast %eq3A_167 : i32 to vector<4x8xi32>
    %eq3A_169 = arith.cmpi eq, %iota3A_21, %eq3A_168 : vector<4x8xi32>
    %convert_element_type3A_170 = arith.sitofp %broadcast_in_dim3A_166 : vector<4x1xi32> to vector<4x1xf32>
    %broadcast_in_dim3A_171 = vector.shape_cast %convert_element_type3A_170 : vector<4x1xf32> to vector<4x1xf32>
    %broadcast_in_dim3A_172 = vector.broadcast %broadcast_in_dim3A_171 : vector<4x1xf32> to vector<4x8xf32>
    %select_n3A_173 = arith.select %eq3A_169, %broadcast_in_dim3A_172, %select_n3A_150 : vector<4x8xi1>, vector<4x8xf32>
    %eq3A_174 = vector.broadcast %broadcast_in_dim3A_166 : vector<4x1xi32> to vector<4x64xi32>
    %eq3A_175 = arith.cmpi eq, %iota3A, %eq3A_174 : vector<4x64xi32>
    %jit3A_176 = arith.constant 0xFF800000 : f32
    %broadcast_in_dim3A_177 = vector.broadcast %jit3A_176 : f32 to vector<4x64xf32>
    %select_n3A_178 = arith.select %eq3A_175, %broadcast_in_dim3A_177, %select_n3A_155 : vector<4x64xi1>, vector<4x64xf32>
    %reduce_max3A_179 = arith.constant dense<0xFF800000> : vector<4xf32>
    %reduce_max3A_180 = vector.multi_reduction <maximumf>, %select_n3A_178, %reduce_max3A_179 [1] : vector<4x64xf32> to vector<4xf32>
    %broadcast_in_dim3A_181 = vector.shape_cast %reduce_max3A_180 : vector<4xf32> to vector<4x1xf32>
    %eq3A_182 = vector.broadcast %broadcast_in_dim3A_181 : vector<4x1xf32> to vector<4x64xf32>
    %eq3A_183 = arith.cmpf oeq, %select_n3A_178, %eq3A_182 : vector<4x64xf32>
    %jit3A_184 = arith.constant 64 : i32
    %broadcast_in_dim3A_185 = vector.broadcast %jit3A_184 : i32 to vector<4x64xi32>
    %select_n3A_186 = arith.select %eq3A_183, %iota3A, %broadcast_in_dim3A_185 : vector<4x64xi1>, vector<4x64xi32>
    %reduce_min3A_187 = arith.constant dense<2147483647> : vector<4xi32>
    %reduce_min3A_188 = vector.multi_reduction <minsi>, %select_n3A_186, %reduce_min3A_187 [1] : vector<4x64xi32> to vector<4xi32>
    %broadcast_in_dim3A_189 = vector.shape_cast %reduce_min3A_188 : vector<4xi32> to vector<4x1xi32>
    %eq3A_190 = arith.constant 7 : i32
    %eq3A_191 = vector.broadcast %eq3A_190 : i32 to vector<4x8xi32>
    %eq3A_192 = arith.cmpi eq, %iota3A_21, %eq3A_191 : vector<4x8xi32>
    %convert_element_type3A_193 = arith.sitofp %broadcast_in_dim3A_189 : vector<4x1xi32> to vector<4x1xf32>
    %broadcast_in_dim3A_194 = vector.shape_cast %convert_element_type3A_193 : vector<4x1xf32> to vector<4x1xf32>
    %broadcast_in_dim3A_195 = vector.broadcast %broadcast_in_dim3A_194 : vector<4x1xf32> to vector<4x8xf32>
    %select_n3A_196 = arith.select %eq3A_192, %broadcast_in_dim3A_195, %select_n3A_173 : vector<4x8xi1>, vector<4x8xf32>
    %iota3A_197 = tpu.iota {dimensions = array<i32: 0>} : vector<32x8xi32>
    %iota3A_198 = tpu.iota {dimensions = array<i32: 1>} : vector<32x8xi32>
    %rem3A = arith.constant 8 : i32
    %rem3A_199 = vector.broadcast %rem3A : i32 to vector<32x8xi32>
    %rem3A_200 = arith.remsi %iota3A_197, %rem3A_199 : vector<32x8xi32>
    %eq3A_201 = arith.cmpi eq, %iota3A_198, %rem3A_200 : vector<32x8xi32>
    %convert_element_type3A_202 = arith.extui %eq3A_201 : vector<32x8xi1> to vector<32x8xi32>
    %convert_element_type3A_203 = arith.sitofp %convert_element_type3A_202 : vector<32x8xi32> to vector<32x8xf32>
    %iota3A_204 = tpu.iota {dimensions = array<i32: 0>} : vector<32x4xi32>
    %div3A = arith.constant 8 : i32
    %div3A_205 = vector.broadcast %div3A : i32 to vector<32x4xi32>
    %div3A_206 = arith.divsi %iota3A_204, %div3A_205 : vector<32x4xi32>
    %iota3A_207 = tpu.iota {dimensions = array<i32: 1>} : vector<32x4xi32>
    %eq3A_208 = arith.cmpi eq, %div3A_206, %iota3A_207 : vector<32x4xi32>
    %convert_element_type3A_209 = arith.extui %eq3A_208 : vector<32x4xi1> to vector<32x4xi32>
    %convert_element_type3A_210 = arith.sitofp %convert_element_type3A_209 : vector<32x4xi32> to vector<32x4xf32>
    %dot_general3A_211 = arith.constant dense<0.000000e+00> : vector<32x8xf32>
    %dot_general3A_212 = tpu.matmul %convert_element_type3A_210, %select_n3A_196, %dot_general3A_211 {dimension_numbers = #tpu.dot_dimension_numbers<[1], [0], [0], [1], [0, 0, 1, 1], [], []>, transpose_lhs_hint = false} : vector<32x4xf32>, vector<4x8xf32>, vector<32x8xf32> -> vector<32x8xf32>
    %mul3A_213 = arith.mulf %dot_general3A_212, %convert_element_type3A_203 : vector<32x8xf32>
    %reduce_sum3A_214 = arith.constant dense<0.000000e+00> : vector<32xf32>
    %reduce_sum3A_215 = vector.multi_reduction <add>, %mul3A_213, %reduce_sum3A_214 [1] : vector<32x8xf32> to vector<32xf32>
    %broadcast_in_dim3A_216 = vector.shape_cast %reduce_sum3A_215 : vector<32xf32> to vector<32x1xf32>
    %convert_element_type3A_217 = arith.fptosi %broadcast_in_dim3A_216 : vector<32x1xf32> to vector<32x1xi32>
    %iota3A_218 = tpu.iota {dimensions = array<i32: 1>} : vector<32x32xi32>
    %div3A_219 = arith.constant 16 : i32
    %div3A_220 = vector.broadcast %div3A_219 : i32 to vector<32x32xi32>
    %div3A_221 = arith.divsi %iota3A_218, %div3A_220 : vector<32x32xi32>
    %eq3A_222 = arith.constant 0 : i32
    %eq3A_223 = vector.broadcast %eq3A_222 : i32 to vector<32x32xi32>
    %eq3A_224 = arith.cmpi eq, %div3A_221, %eq3A_223 : vector<32x32xi32>
    %rem3A_225 = arith.constant 16 : i32
    %rem3A_226 = vector.broadcast %rem3A_225 : i32 to vector<32x32xi32>
    %rem3A_227 = arith.remsi %iota3A_218, %rem3A_226 : vector<32x32xi32>
    %min3A = arith.constant 0 : i32
    %min3A_228 = vector.broadcast %min3A : i32 to vector<32x32xi32>
    %min3A_229 = arith.minsi %rem3A_227, %min3A_228 : vector<32x32xi32>
    %add3A = arith.constant 1 : i32
    %add3A_230 = vector.broadcast %add3A : i32 to vector<32x32xi32>
    %add3A_231 = arith.addi %add3A_230, %min3A_229 : vector<32x32xi32>
    %jit3A_232 = arith.constant 0 : i32
    %broadcast_in_dim3A_233 = vector.broadcast %jit3A_232 : i32 to vector<32x32xi32>
    %select_n3A_234 = arith.select %eq3A_224, %broadcast_in_dim3A_233, %add3A_231 : vector<32x32xi1>, vector<32x32xi32>
    %mul3A_235 = arith.constant 2 : i32
    %mul3A_236 = vector.broadcast %mul3A_235 : i32 to vector<32x1xi32>
    %mul3A_237 = arith.muli %mul3A_236, %convert_element_type3A_217 : vector<32x1xi32>
    %add3A_238 = vector.broadcast %mul3A_237 : vector<32x1xi32> to vector<32x32xi32>
    %add3A_239 = arith.addi %add3A_238, %select_n3A_234 : vector<32x32xi32>
    %swap3A = arith.constant 0 : index
    %swap3A_240 = arith.constant 0 : index
    %swap3A_241 = vector.load %arg2[%swap3A, %swap3A_240] : memref<32x32xi32, #tpu.memory_space<vmem>>, vector<32x32xi32>
    tpu.vector_store %arg2[%swap3A, %swap3A_240], %add3A_239 {strides = array<i32>} : memref<32x32xi32, #tpu.memory_space<vmem>>, vector<32x32xi32>,
    return
  }
}

</mosaic_0001>

<sc_bundles>
// kernel: kernel.5.cloned.1.call-start
scs
__scs_entry_jumppad:
0x0: {  	(pc) =	sbr.rel $0x88, $3  }
0x1: {  	(tag) =	ssettag $0x0;
	lr =	simm.s32 $0x1  }
0x2: {  	[smem:$0x3F9E] =	sst lr;
	_ =	strace $0xD0000000  }
0x3: {  	_ = 	snop  }
0x4: {  	_ = 	snop  }
0x5: {  	_ = 	snop  }
0x6: {  	_ = 	snop  }
0x7: {  	_ = 	snop  }
__scs_overlays_trampoline_lowered:
0x8: {  	[smem:$0x3FAD] =	sst s0  }
0x9: {  	[smem:$0x3FAE] =	sst s1  }
0xa: {  	[smem:$0x3FAF] =	sst s2  }
0xb: {  	[smem:$0x3FB0] =	sst s3  }
0xc: {  	[smem:$0x3FB1] =	sst s4  }
0xd: {  	[smem:$0x3FB2] =	sst s5  }
0xe: {  	[smem:$0x3FB3] =	sst s6  }
0xf: {  	[smem:$0x3FB4] =	sst s7  }
0x10: {  	[smem:$0x3FB5] =	sst s8  }
0x11: {  	[smem:$0x3FB6] =	sst s9;
	s0 =	simm.s32 @!p0 $0x0  }
0x12: {  	s1 =	sld [smem:$0x3F9C];
	s0 =	simm.s32 @p0 $0x1  }
0x13: {  	[smem:$0x3FB7] =	sst s0;
	s0 =	simm.s32 @!p1 $0x0  }
0x14: {  	s2 =	sld [smem:$0x3F9B];
	s0 =	simm.s32 @p1 $0x1  }
0x15: {  	[smem:$0x3FB8] =	sst s0;
	s0 =	simm.s32 @!p2 $0x0  }
0x16: {  	s3 =	sld [smem:$0x3FDB];
	s0 =	simm.s32 @p2 $0x1  }
0x17: {  	s4 =	simm.s32 $0x1BF5;
	[smem:$0x3FBA] =	sst s0  }
0x18: {  	s0 =	sld [smem:$0x3F9D];
	_ =	swait.ge [sflag:s4], $0x0  }
0x19: {  	s7 =	sld [smem:$0x3F9E]  }
0x1a: {  	s8 =	sadd.s32 $0xFFFFE003, lr  }
0x1b: {  	s9 =	sadd.s32 $0xFFFFFEF7, lr;
	s5 =	simm.s32 $0xFFFFFFFF;
	p2 =	slt.u32 s8, $0xFFFFF086  }
0x1c: {  	p1 =	slt.u32 s9, $0xF7A;
	s5 =	simm.s32 @!p2 $0x0  }
0x1d: {  	s5 =	simm.s32 @p1 $0x1;
	p0 =	seq.s32 s7, s2  }
0x1e: {  	s7 =	smul.u32 @!p0 $0xF7A, s2;
	p2 =	seq.s32 @!p0 s5, $0x0  }
0x1f: {  	s9 =	smul.u32 $0xF7A, s1;
	s8 =	simm.s32 @!p0 $0x1BF5;
	p2 =	por !p2, p0  }
0x20: {  	[sflag:s8] =	ssyncset.s32 @!p0 $0xFFFFF086;
	s6 =	sadd.s32 @!p0 s3, s7;
	s7 =	simm.s32 @!p0 $0x108  }
0x21: {  	s3 =	sadd.s32 s3, s9;
	s6 =	sadd.s32 @!p0 $0x88, s6;
	s7 =	simm.s32 @p2 $0x1082  }
0x22: {  	[simem:s7], [sflag:s8] =	dma.local @!p0 [hbm:s6], $0xF7A  }
0x23: {  	s9 =	sor.u32 $0xD0000000, s2;
	s6 =	simm.s32 $0x108;
	_ =	swait.ge @!p0 [sflag:s8], $0x0  }
0x24: {  	s3 =	sadd.s32 $0x88, s3;
	s6 =	simm.s32 @!p1 $0x1082;
	[sflag:s4] =	ssyncset.s32 $0xFFFFF086  }
0x25: {  	[simem:s6], [sflag:s4] =	dma.local [hbm:s3], $0xF7A  }
0x26: {  	[smem:$0x3F9E] =	sst s1;
	(tag) =	ssettag s2;
	_ =	strace s9  }
0x27: {  	s1 =	sld [smem:$0x3FAE]  }
0x28: {  	s2 =	sld [smem:$0x3FAF]  }
0x29: {  	s4 =	sld [smem:$0x3FB1]  }
0x2a: {  	p0 =	seq.s32 s5, $0x0;
	s5 =	sld [smem:$0x3FB2]  }
0x2b: {  	s6 =	sld [smem:$0x3FB3]  }
0x2c: {  	s7 =	sld [smem:$0x3FB4]  }
0x2d: {  	s3 =	simm.s32 $0x108;
	s8 =	sld [smem:$0x3FB5]  }
0x2e: {  	s3 =	simm.s32 @!p0 $0x1082;
	s9 =	sld [smem:$0x3FB6]  }
0x2f: {  	lr =	sadd.s32 s0, s3;
	s0 =	sld [smem:$0x3FAD]  }
0x30: {  	s3 =	sld [smem:$0x3FB0]  }
0x31: {  	[smem:$0x3FB9] =	sst s10  }
0x32: {  	s10 =	sld [smem:$0x3FB7];
	_ =	sdelay $0x3  }
0x33: {  	p0 =	seq.s32 s10, $0x1;
	s10 =	sld [smem:$0x3FB9];
	_ =	sdelay $0x3  }
0x34: {  	[smem:$0x3FB9] =	sst s10  }
0x35: {  	s10 =	sld [smem:$0x3FB8];
	_ =	sdelay $0x3  }
0x36: {  	p1 =	seq.s32 s10, $0x1;
	s10 =	sld [smem:$0x3FB9];
	_ =	sdelay $0x3  }
0x37: {  	[smem:$0x3FB9] =	sst s10  }
0x38: {  	s10 =	sld [smem:$0x3FBA]  }
0x39: {  	_ = 	snop;
	(pc) =	sbr.ind lr, $3  }
0x3a: {  	_ = 	snop  }
0x3b: {  	_ = 	snop  }
0x3c: {  	p2 =	seq.s32 s10, $0x1;
	s10 =	sld [smem:$0x3FB9]  }
0x3d: {  	_ =	shalt  }
0x3e: {  	_ =	shalt  }
0x3f: {  	_ =	shalt  }
0x40: {  	_ =	shalt  }
0x41: {  	_ =	shalt  }
0x42: {  	_ =	shalt  }
0x43: {  	_ =	shalt  }
0x44: {  	_ =	shalt  }
0x45: {  	_ =	shalt  }
0x46: {  	_ =	shalt  }
0x47: {  	_ =	shalt  }
0x48: {  	_ =	shalt  }
0x49: {  	_ =	shalt  }
0x4a: {  	_ =	shalt  }
0x4b: {  	_ =	shalt  }
0x4c: {  	_ =	shalt  }
0x4d: {  	_ =	shalt  }
0x4e: {  	_ =	shalt  }
0x4f: {  	_ =	shalt  }
0x50: {  	_ =	shalt  }
0x51: {  	_ =	shalt  }
0x52: {  	_ =	shalt  }
0x53: {  	_ =	shalt  }
0x54: {  	_ =	shalt  }
0x55: {  	_ =	shalt  }
0x56: {  	_ =	shalt  }
0x57: {  	_ =	shalt  }
0x58: {  	_ =	shalt  }
0x59: {  	_ =	shalt  }
0x5a: {  	_ =	shalt  }
0x5b: {  	_ =	shalt  }
0x5c: {  	_ =	shalt  }
0x5d: {  	_ =	shalt  }
0x5e: {  	_ =	shalt  }
0x5f: {  	_ =	shalt  }
0x60: {  	_ =	shalt  }
0x61: {  	_ =	shalt  }
0x62: {  	_ =	shalt  }
0x63: {  	_ =	shalt  }
0x64: {  	_ =	shalt  }
0x65: {  	_ =	shalt  }
0x66: {  	_ =	shalt  }
0x67: {  	_ =	shalt  }
0x68: {  	_ =	shalt  }
0x69: {  	_ =	shalt  }
0x6a: {  	_ =	shalt  }
0x6b: {  	_ =	shalt  }
0x6c: {  	_ =	shalt  }
0x6d: {  	_ =	shalt  }
0x6e: {  	_ =	shalt  }
0x6f: {  	_ =	shalt  }
0x70: {  	_ =	shalt  }
0x71: {  	_ =	shalt  }
0x72: {  	_ =	shalt  }
0x73: {  	_ =	shalt  }
0x74: {  	_ =	shalt  }
0x75: {  	_ =	shalt  }
0x76: {  	_ =	shalt  }
0x77: {  	_ =	shalt  }
0x78: {  	_ =	shalt  }
0x79: {  	_ =	shalt  }
0x7a: {  	_ =	shalt  }
0x7b: {  	_ =	shalt  }
0x7c: {  	_ =	shalt  }
0x7d: {  	_ =	shalt  }
0x7e: {  	_ =	shalt  }
0x7f: {  	_ =	shalt  }
0x80: {  	_ =	shalt  }
0x81: {  	_ =	shalt  }
0x82: {  	_ =	shalt  }
0x83: {  	_ =	shalt  }
0x84: {  	_ =	shalt  }
0x85: {  	_ =	shalt  }
0x86: {  	_ =	shalt  }
0x87: {  	_ =	shalt  }
.Lfunc_end0:
.L_simem_size_0:
called_computation_lowered:
.L_overlay_start_0:
0x88: {  	s2 =	sld [smem:$0x3FD9]  }
0x89: {  	s3 =	sld [smem:$0x3FFE];
	_ =	sdelay $0x1  }
0x8a: {  	s1 =	srdreg.scid  }
0x8b: {  	s0 =	sand.u32 $0x1, s1  }
0x8c: {  	s14 =	sshll.u32 s0, $0xA;
	s2 =	sadd.s32 s3, s2  }
0x8d: {  	s2 =	sadd.s32 s2, s14  }
0x8e: {  	[smem:$0x3FC5] =	sst s2  }
0x8f: {  	_ = 	snop  }
0x90: {  	s2 =	sld [smem:$0x3FD0];
	_ =	sdelay $0x2  }
0x91: {  	s4 =	simm.s32 $0xA;
	s5 =	simm.s32 $0x10;
	s15 =	sld [smem:$0x3FC8]  }
0x92: {  	[smem:s5], [sflag:s4] =	dma.local [hbm:s2], $0x1  }
0x93: {  	_ =	swait.eq [sflag:s4], $0x1  }
0x94: {  	[sflag:s4] =	ssyncset.done $0x0  }
0x95: {  	[sflag:s4] =	ssyncadd.s32 $0xFFFFFFFF  }
0x96: {  	s16 =	sld [smem:$0x10];
	(tm) =	ssettm $0x1  }
0x97: {  	s17 =	sld [smem:$0x3FFB];
	_ =	sdelay $0x3  }
0x98: {  	_ =	strace s17  }
0x99: {  	s4 =	sld [smem:$0x3FFC];
	_ =	sdelay $0x3  }
0x9a: {  	_ =	strace s4  }
0x9b: {  	s4 =	sld [smem:$0x3FFD];
	_ =	sdelay $0x3  }
0x9c: {  	_ =	strace s4  }
0x9d: {  	_ =	strace $0x8FFFFFFF  }
0x9e: {  	s18 =	sld [smem:$0x3FDB];
	_ =	sdelay $0x1  }
0x9f: {  	s19 =	simm.s32 $_scs_section_size  }
0xa0: {  	s6 =	simm.s32 $_size__tile_overlayer_lowered;
	s7 =	simm.s32 $_tile_overlayer_lowered  }
0xa1: {  	s22 =	simm.s32 $0x1BFF;
	s21 =	sshll.u32 s7, $0x1;
	s4 =	sadd.s32 s19, s18  }
0xa2: {  	s8 =	simm.s32 $0x0;
	s20 =	sshll.u32 s6, $0x1;
	s6 =	sadd.s32 s21, s4  }
0xa3: {  	[timem:s8], [sflag:s22] =	dma.local [hbm:s6], s20  }
0xa4: {  	_ =	swait.ge [sflag:s22], s20  }
0xa5: {  	s5 =	ssub.s32 $0x0, s20;
	[sflag:s22] =	ssyncset.done $0x0  }
0xa6: {  	[sflag:s22] =	ssyncadd.s32 s5;
	_ =	sdelay $0x1  }
0xa7: {  	s23 =	simm.s32 $0x1B8B  }
0xa8: {  	_ =	swait.ge [sflag:s23], $0x1  }
0xa9: {  	[sflag:s23] =	ssyncset.done $0x0  }
0xaa: {  	s25 =	simm.s32 $0x1B8E;
	s24 =	sld [smem:$0x3FFE];
	[sflag:s23] =	ssyncadd.s32 $0xFFFFFFFF  }
0xab: {  	s26 =	simm.s32 $execute0_lowered;
	[smem:$0x3FD2] =	sst s25  }
0xac: {  	s6 =	sshll.u32 s26, $0x1;
	_ =	strace $0x80000046;
	[dreg:$0x1] =	wrdreg $0xFFFFFFFF  }
0xad: {  	s28 =	simm.s32 $_size_execute0_lowered;
	s4 =	sadd.s32 s4, s6;
	[dreg:$0x0] =	wrdreg $0x0  }
0xae: {  	s6 =	sshll.u32 s28, $0x1;
	[dreg:$0x2] =	wrdreg s4  }
0xaf: {  	[dreg:$0x3] =	wrdreg s6  }
0xb0: {  	[dreg:$0x4] =	wrdreg $0xC0  }
0xb1: {  	_ =	task [dreg:s8], $0x5FFFF  }
0xb2: {  	[dreg:$0x1] =	wrdreg $0xFFFFFFFF  }
0xb3: {  	[dreg:$0x0] =	wrdreg $0x60  }
0xb4: {  	[dreg:$0x2] =	wrdreg s24  }
0xb5: {  	[dreg:$0x3] =	wrdreg s15  }
0xb6: {  	[dreg:$0x4] =	wrdreg s16  }
0xb7: {  	[dreg:$0x5] =	wrdreg $0x9  }
0xb8: {  	_ =	task.clear_ibuf [dreg:s8], $0x6FFFF;
	_ =	strace $0x90000046  }
0xb9: {  	s29 =	simm.s32 $0x9;
	_ =	strace $0x80000048  }
0xba: {  	_ =	swait.ge [sflag:s29], $0x1  }
0xbb: {  	[sflag:s29] =	ssyncadd.s32 $0xFFFFFFFF  }
0xbc: {  	_ =	strace $0x90000048  }
0xbd: {  	_ =	sfence  }
0xbe: {  	s30 =	sld [smem:$0x0];
	_ =	sdelay $0x2  }
0xbf: {  	s31 =	sshll.u32 s1, $0xD;
	s1 =	sshrl.u32 s1, $0x2  }
0xc0: {  	s3 =	sand.u32 $0x4000, s31;
	s1 =	sadd.s32 s1, s30  }
0xc1: {  	s0 =	sor.u32 s3, s0;
	s1 =	sshll.u32 s1, $0x11  }
0xc2: {  	s0 =	sor.u32 s1, s0  }
0xc3: {  	s0 =	sadd.s32 $0x8F2B, s0  }
0xc4: {  	[sflag:s0] =	ssyncadd.remote.s32 $0x1  }
0xc5: {  	_ =	sfence.sel $0xFFFF  }
0xc6: {  	[dreg:$0x0] =	wrdreg $0xFFFFFFFF;
	(pc) =	sbr.abs _section_cstart, $3  }
0xc7: {  	[dreg:$0x1] =	wrdreg $0xFFFFFFFF  }
0xc8: {  	_ =	task.clear_ibuf [dreg:s8], $0x2FFFF;
	_ =	strace $0x9FFFFFFF  }
0xc9: {  	(tm) =	ssettm $0x7FFFFFFF  }
tec
execute0_lowered:
.L_overlay_start_1:
0x0: {  	(tag) =	ssettag $0x1  }
0x1: {  	s4 =	rddreg [dreg:$0x0]  }
0x2: {  	s2 =	rddreg [dreg:$0x1]  }
0x3: {  	s5 =	rddreg [dreg:$0x2]  }
0x4: {  	s0 =	rddreg [dreg:$0x3];
	s6 =	srdreg.scid  }
0x5: {  	s1 =	stileid.u32;
	s3 =	simm.s32 $0x0;
	s9 =	simm.s32 $0x80  }
0x6: {  	s10 =	simm.s32 $0x8080;
	s11 =	simm.s32 $0x1;
	s12 =	simm.s32 $0x2  }
0x7: {  	s13 =	simm.s32 $0x3;
	s6 =	sand.u32 $0x1, s6;
	s7 =	sshll.u32 s1, $0x1  }
0x8: {  	s14 =	simm.s32 $0x4;
	[smem:$0x7FF] =	sst s3;
	s7 =	sor.u32 s6, s7  }
0x9: {  	_ =	strace $0x80000047;
	s6 =	ssub.s32 $0x2, s6;
	s8 =	sshll.u32 s7, $0x4  }
0xa: {  	s31 =	sshrl.u32 s6, $0x1;
	s7 =	sshll.u32 s7, $0xD;
	s4 =	sadd.s32 s8, s4  }
0xb: {  	s8 =	ssub.s32 s6, s31;
	s5 =	sadd.s32 s5, s7;
	s4 =	sadd.s32 $0xC00, s4  }
0xc: {  	vm0 =	vmmov $0x1;
	v0 =	vlaneseq.u32;
	s6 =	sadd.s32 $0x1000, s5;
	s7 =	smax.u32 s8, $0x1;
	s8 =	simm.s32 $0x5  }
.LBB2_1:
0xd: {  	[tilespmem:s3], [sflag:$0x5] =	stream.linear.gather [hbm4b:s4+s3], $0x80, $0x38;
	[tilespmem:$0x10080] =	vst v63  }
0xe: {  	_ =	swait.ge [sflag:s8], $0x80  }
0xf: {  	[sflag:s8] =	ssyncset.done $0x0  }
0x10: {  	[sflag:s8] =	ssyncadd.s32 $0xFFFFFF80  }
0x11: {  	v1 =	vld.msk [tilespmem:$0x0], $0x1;
	_ =	sdelay $0x4  }
0x12: {  	v1 =	vshll.u32 v1, $0xF  }
0x13: {  	v1 =	vperm.xlane v1, v0;
	_ =	sdelay $0x5  }
0x14: {  	[tilespmem:s9], [sflag:$0x1] =	stream.indirect_vreg.gather [hbm4b:s2+s3], $0x8000, v1, vm0, $0x38;
	[tilespmem:$0x10080] =	vst v63  }
0x15: {  	v1 =	vld.msk [tilespmem:$0x10], $0x1;
	_ =	sdelay $0x4  }
0x16: {  	v1 =	vshll.u32 v1, $0xF  }
0x17: {  	v1 =	vperm.xlane v1, v0;
	_ =	sdelay $0x5  }
0x18: {  	[tilespmem:s10], [sflag:$0x2] =	stream.indirect_vreg.gather [hbm4b:s2+s3], $0x8000, v1, vm0, $0x38;
	[tilespmem:$0x10080] =	vst v63  }
0x19: {  	_ =	swait.ge [sflag:s11], $0x8000  }
0x1a: {  	[sflag:s11] =	ssyncset.done $0x0  }
0x1b: {  	[sflag:s11] =	ssyncadd.s32 $0xFFFF8000  }
0x1c: {  	[hbm4b:s5+s3] =	stream.linear.scatter [tilespmem:s9], [sflag:$0x3], $0x8000, $0x38;
	[tilespmem:$0x10080] =	vst v63  }
0x1d: {  	_ =	swait.ge [sflag:s12], $0x8000  }
0x1e: {  	[sflag:s12] =	ssyncset.done $0x0  }
0x1f: {  	[sflag:s12] =	ssyncadd.s32 $0xFFFF8000  }
0x20: {  	[hbm4b:s6+s3] =	stream.linear.scatter [tilespmem:s10], [sflag:$0x4], $0x8000, $0x38;
	[tilespmem:$0x10080] =	vst v63  }
0x21: {  	p0 =	sne.s32 s7, $0x1;
	_ =	swait.ge [sflag:s13], $0x8000  }
.Ltmp0:
0x22: {  	[sflag:s13] =	ssyncset.done $0x0;
	(pc) =	sbr.rel @p0 .LBB2_1-.Ltmp0, $4  }
0x23: {  	[sflag:s13] =	ssyncadd.s32 $0xFFFF8000  }
0x24: {  	_ =	swait.ge [sflag:s14], $0x8000  }
0x25: {  	[sflag:s14] =	ssyncset.done $0x0  }
0x26: {  	s7 =	sadd.s32 $0xFFFFFFFF, s7;
	[sflag:s14] =	ssyncadd.s32 $0xFFFF8000  }
0x27: {  	_ =	sfence.sel $0x180000  }
0x28: {  	[bflag:$0x0] =	sbarrier.arrive $0xFFFF  }
0x29: {  	p0 =	sne.s32 s1, $0x0;
	_ =	strace $0x90000047  }
0x2a: {  	s0 =	sadd.s32 @!p0 $0x100000, s0;
	[bflag:$0x2] =	sbarrier.arrive $0xFFFF  }
0x2b: {  	[sflag:s0] =	ssyncadd.tile.s32 @!p0 $0x1;
	_ =	shalt  }
.Lfunc_end2:
_tile_overlayer_lowered:
.L_overlay_start_2:
0x2c: {  	(tag) =	ssettag $0x2  }
0x2d: {  	s0 =	rddreg [dreg:$0x0];
	s2 =	stileid.u32  }
0x2e: {  	s1 =	rddreg [dreg:$0x1];
	p0 =	sne.s32 s2, $0x0  }
0x2f: {  	s3 =	rddreg [dreg:$0x2];
	[bflag:$0x3] =	sbarrier.arrive $0xFFFF;
	s2 =	simm.s32 @!p0 $0x1C05  }
0x30: {  	[timem:s3], [sflag:s2] =	dma.local @!p0 [hbm:s0], s1  }
0x31: {  	s0 =	simm.s32 @!p0 $0x5  }
0x32: {  	_ =	swait.ge @!p0 [sflag:s0], s1  }
0x33: {  	s1 =	ssub.s32 @!p0 $0x0, s1;
	[sflag:s0] =	ssyncset.done @!p0 $0x0  }
0x34: {  	[sflag:s0] =	ssyncadd.s32 @!p0 s1  }
0x35: {  	[bflag:$0x3] =	sbarrier.arrive $0xFFFF  }
0x36: {  	_ =	shalt  }

</sc_bundles>
